<compile_context>
chip_gen: v7x
topology: tpu7x:2x2x1
jax: 0.10.2.dev20260603
libtpu: 0.0.44.dev20260713+nightly
codegen_flags: <defaults>
</compile_context>

<pallas_src>
import functools

import jax
import jax.numpy as jnp
from jax import lax
from jax.experimental import pallas as pl
from jax.experimental.pallas import tpu as pltpu
from jax.experimental.pallas import tpu_sc as plsc


B, N = 256, 64
EMB = 64
D_INV = 256
N_ATOM_TYPES = 100
N_CHARGE_TYPES = 7
N_BOND_TYPES = 8

BB = 8

ROWS = B * N * N // 2
NC, NS = 2, 16
NW = NC * NS
RPW = ROWS // NW
CH = 512
NCHUNK = RPW // CH



def _sc_edges_body(table_hbm, idx_hbm, out_hbm, idx_v, rows_v, sem):
    wid = lax.axis_index("s") * NC + lax.axis_index("c")
    base0 = wid * RPW

    def body(i, carry):
        base = base0 + i * CH
        pltpu.sync_copy(idx_hbm.at[pl.ds(base, CH)], idx_v)
        pltpu.async_copy(table_hbm.at[idx_v], rows_v, sem).wait()
        pltpu.sync_copy(rows_v, out_hbm.at[pl.ds(base, CH)])
        return carry

    lax.fori_loop(0, NCHUNK, body, 0, unroll=False)


def _sc_edges(pair_table, pair_idx):
    mesh = plsc.VectorSubcoreMesh(core_axis_name="c", subcore_axis_name="s")
    f = functools.partial(
        pl.kernel,
        mesh=mesh,
        out_type=jax.ShapeDtypeStruct((ROWS, 2 * EMB), jnp.float32),
        scratch_types=[
            pltpu.VMEM((CH,), jnp.int32),
            pltpu.VMEM((CH, 2 * EMB), jnp.float32),
            pltpu.SemaphoreType.DMA,
        ],
    )(_sc_edges_body)
    return f(pair_table, pair_idx)



def _tc_invs(at_ref, ach_ref, taT_ref, tcT_ref,
             w1T_ref, b1_ref, w2T_ref, b2_ref, invs_ref):
    f32 = jnp.float32
    TOK = BB * N
    at_all = at_ref[0]
    ach_all = ach_ref[0]
    oh_a = (jax.lax.broadcasted_iota(jnp.int32, (N_ATOM_TYPES, TOK), 0)
            == at_all).astype(f32)
    oh_c = (jax.lax.broadcasted_iota(jnp.int32, (N_CHARGE_TYPES, TOK), 0)
            == ach_all).astype(f32)
    xaT = jnp.dot(taT_ref[:, :], oh_a, preferred_element_type=f32)
    xcT = jnp.dot(tcT_ref[:, :], oh_c, preferred_element_type=f32)
    xT = jnp.concatenate([xaT, xcT], axis=0)
    hT = jnp.dot(w1T_ref[:, :], xT, preferred_element_type=f32) + b1_ref[:, :]
    hT = hT * jax.nn.sigmoid(hT)
    oT = jnp.dot(w2T_ref[:, :], hT, preferred_element_type=f32) + b2_ref[:, :]
    invs_ref[:, :, :] = oT.T.reshape(BB, N, D_INV)


@jax.jit
def kernel(atom_types, bond_types, atom_mask, atom_charges,
           atom_type_table, charge_table, bond_table, W1, b1, W2, b2):
    del atom_mask
    at3 = atom_types.reshape(B // BB, 1, BB * N)
    ach3 = atom_charges.reshape(B // BB, 1, BB * N)

    full = lambda *shape: pl.BlockSpec(shape, lambda i: (0,) * len(shape))
    invs = pl.pallas_call(
        _tc_invs,
        grid=(B // BB,),
        in_specs=[
            pl.BlockSpec((1, 1, BB * N), lambda i: (i, 0, 0)),
            pl.BlockSpec((1, 1, BB * N), lambda i: (i, 0, 0)),
            full(EMB, N_ATOM_TYPES),
            full(EMB, N_CHARGE_TYPES),
            full(D_INV, 2 * EMB),
            full(D_INV, 1),
            full(D_INV, D_INV),
            full(D_INV, 1),
        ],
        out_specs=pl.BlockSpec((BB, N, D_INV), lambda i: (i, 0, 0)),
        out_shape=jax.ShapeDtypeStruct((B, N, D_INV), jnp.float32),
    )(at3, ach3, atom_type_table.T, charge_table.T,
      W1.T, b1.reshape(D_INV, 1), W2.T, b2.reshape(D_INV, 1))

    pair_table = jnp.concatenate(
        [jnp.repeat(bond_table, N_BOND_TYPES, axis=0),
         jnp.tile(bond_table, (N_BOND_TYPES, 1))], axis=1)
    bt2 = bond_types.reshape(ROWS, 2)
    pair_idx = bt2[:, 0] * N_BOND_TYPES + bt2[:, 1]

    edges = _sc_edges(pair_table, pair_idx)
    return invs, edges.reshape(B, N, N, EMB)

# --- scband reference (transcript-rebuilt; emitter-appended) ---
"""Pipeline reference for scband-invariant-embedding-257698038065 (READ-ONLY COPY).

The authoritative reference and input builder live on the scoring server;
editing this copy changes nothing except your own understanding.
"""

import jax, jax.numpy as jnp
import numpy as np

B, N = 256, 64
N_ATOM_TYPES = 100
N_CHARGE_TYPES = 7
N_BOND_TYPES = 8
EMB = 64
D_INV = 256


def setup_inputs(seed: int = 0) -> dict:
    key = jax.random.key(seed)
    ks = jax.random.split(key, 12)
    atom_types = jax.random.randint(ks[0], (B, N), 0, N_ATOM_TYPES, dtype=jnp.int32)
    bond_types = jax.random.randint(ks[1], (B, N, N), 0, N_BOND_TYPES, dtype=jnp.int32)
    atom_mask = jnp.ones((B, N), dtype=jnp.int32)
    atom_charges = jax.random.randint(ks[2], (B, N), 0, N_CHARGE_TYPES, dtype=jnp.int32)
    atom_type_table = jax.random.normal(ks[3], (N_ATOM_TYPES, EMB), dtype=jnp.float32) * 0.02
    charge_table = jax.random.normal(ks[4], (N_CHARGE_TYPES, EMB), dtype=jnp.float32) * 0.02
    bond_table = jax.random.normal(ks[5], (N_BOND_TYPES, EMB), dtype=jnp.float32) * 0.02
    W1 = jax.random.normal(ks[6], (2 * EMB, D_INV), dtype=jnp.float32) * (1.0 / np.sqrt(2 * EMB))
    b1 = jnp.zeros((D_INV,), dtype=jnp.float32)
    W2 = jax.random.normal(ks[7], (D_INV, D_INV), dtype=jnp.float32) * (1.0 / np.sqrt(D_INV))
    b2 = jnp.zeros((D_INV,), dtype=jnp.float32)
    return {
        "atom_types": atom_types,
        "bond_types": bond_types,
        "atom_mask": atom_mask,
        "atom_charges": atom_charges,
        "atom_type_table": atom_type_table,
        "charge_table": charge_table,
        "bond_table": bond_table,
        "W1": W1,
        "b1": b1,
        "W2": W2,
        "b2": b2,
    }


def reference(atom_types, bond_types, atom_mask, atom_charges,
              atom_type_table, charge_table, bond_table, W1, b1, W2, b2):
    # atom_type_emb lookup
    invs = jnp.take(atom_type_table, atom_types, axis=0)  # (B, N, EMB)
    # charge embedding lookup and concat
    charge_feats = jnp.take(charge_table, atom_charges, axis=0)  # (B, N, EMB)
    invs = jnp.concatenate([invs, charge_feats], axis=-1)  # (B, N, 2*EMB)
    # atom_emb: Linear -> SiLU -> Linear
    h = invs @ W1 + b1
    h = h * jax.nn.sigmoid(h)  # SiLU
    invs = h @ W2 + b2  # (B, N, D_INV)
    # bond embedding lookup (dominant memory traffic)
    edges = jnp.take(bond_table, bond_types, axis=0)  # (B, N, N, EMB)
    return (invs, edges)

if __name__ == "__main__":
    import jax
    _d = setup_inputs()
    print(jax.jit(kernel)(*tuple(_d.values())))

</pallas_src>

<mosaic_0001>
#map = affine_map<(d0, d1) -> (0, 0)>
#map1 = affine_map<(d0, d1) -> (0)>
module attributes {stable_mosaic.version = 14 : i64} {
  func.func @_sc_edges_body(%arg0: i32, %arg1: i32, %arg2: memref<64x128xf32, #tpu.memory_space<hbm>>, %arg3: memref<524288xi32, #tpu.memory_space<hbm>>, %arg4: memref<524288x128xf32, #tpu.memory_space<hbm>>, %arg5: memref<512xi32, #tpu.memory_space<vmem>>, %arg6: memref<512x128xf32, #tpu.memory_space<vmem>>, %arg7: memref<!tpu.dma_semaphore, #tpu.memory_space<semaphore_mem>>) attributes {dimension_semantics = [#tpu.dimension_semantics<core_parallel>, #tpu.dimension_semantics<subcore_parallel>], iteration_bounds = array<i64: 2, 16>, scalar_prefetch = 0 : i64, scratch_operands = 3 : i64, tpu.core_type = #tpu.core_type<sc_vector_subcore>, window_params = [{transform_indices = #map}, {transform_indices = #map1}, {transform_indices = #map}]} {
    %mul3A = arith.constant 2 : i32
    %mul3A_0 = arith.muli %arg1, %mul3A : i32
    %add3A = arith.addi %mul3A_0, %arg0 : i32
    %mul3A_1 = arith.constant 16384 : i32
    %mul3A_2 = arith.muli %add3A, %mul3A_1 : i32
    %scan3A = arith.constant 0 : i32
    %scan3A_3 = arith.constant 0 : i32
    %scan3A_4 = arith.constant 32 : i32
    %scan3A_5 = arith.addi %scan3A_3, %scan3A_4 : i32
    %scan3A_6 = arith.constant 1 : i32
    scf.for %scan3A_8 = %scan3A_3 to %scan3A_5 step %scan3A_6  : i32 {
      %mul3A_9 = arith.constant 512 : i32
      %mul3A_10 = arith.muli %scan3A_8, %mul3A_9 : i32
      %add3A_11 = arith.addi %mul3A_2, %mul3A_10 : i32
      "tpu.region"() ({
        %run_scoped3A = tpu.sem_alloc : memref<!tpu.dma_semaphore, #tpu.memory_space<semaphore_mem>>
        %dma_start3A_16 = tpu.memref_slice %arg3[%add3A_11] : memref<524288xi32, #tpu.memory_space<hbm>> -> memref<512xi32, #tpu.memory_space<hbm>>
        %dma_start3A_17 = tpu.memref_slice %arg3[%add3A_11] : memref<524288xi32, #tpu.memory_space<hbm>> -> memref<512xi32, #tpu.memory_space<hbm>>
        tpu.enqueue_dma source(%dma_start3A_17 : memref<512xi32, #tpu.memory_space<hbm>>) target(%arg5 : memref<512xi32, #tpu.memory_space<vmem>>) target_semaphore(%run_scoped3A : memref<!tpu.dma_semaphore, #tpu.memory_space<semaphore_mem>>)
        %dma_wait3A_18 = tpu.memref_slice %arg3[%add3A_11] : memref<524288xi32, #tpu.memory_space<hbm>> -> memref<512xi32, #tpu.memory_space<hbm>>
        %dma_wait3A_19 = tpu.memref_slice %arg3[%add3A_11] : memref<524288xi32, #tpu.memory_space<hbm>> -> memref<512xi32, #tpu.memory_space<hbm>>
        tpu.wait_dma2 semaphore(%run_scoped3A : memref<!tpu.dma_semaphore, #tpu.memory_space<semaphore_mem>>) src(%dma_wait3A_19 : memref<512xi32, #tpu.memory_space<hbm>>) dst(%arg5 : memref<512xi32, #tpu.memory_space<vmem>>)
        tpu.yield
      }) : () -> ()
      %dma_start3A = arith.constant 0 : i32
      %dma_start3A_12 = arith.constant 0 : i32
      %dma_start3A_13 = tpu.memref_slice %arg2[%dma_start3A, %dma_start3A_12] : memref<64x128xf32, #tpu.memory_space<hbm>> -> memref<64x128xf32, #tpu.memory_space<hbm>>
      tpu.enqueue_indirect_dma source(%dma_start3A_13 : memref<64x128xf32, #tpu.memory_space<hbm>>) target(%arg6 : memref<512x128xf32, #tpu.memory_space<vmem>>) offsets(%arg5 : memref<512xi32, #tpu.memory_space<vmem>>) semaphore(%arg7 : memref<!tpu.dma_semaphore, #tpu.memory_space<semaphore_mem>>)
      %dma_wait3A = arith.constant 0 : i32
      %dma_wait3A_14 = arith.constant 0 : i32
      %dma_wait3A_15 = tpu.memref_slice %arg2[%dma_wait3A, %dma_wait3A_14] : memref<64x128xf32, #tpu.memory_space<hbm>> -> memref<64x128xf32, #tpu.memory_space<hbm>>
      tpu.wait_indirect_dma semaphore(%arg7 : memref<!tpu.dma_semaphore, #tpu.memory_space<semaphore_mem>>) src(%dma_wait3A_15 : memref<64x128xf32, #tpu.memory_space<hbm>>) dst(%arg6 : memref<512x128xf32, #tpu.memory_space<vmem>>)
      "tpu.region"() ({
        %run_scoped3A = tpu.sem_alloc : memref<!tpu.dma_semaphore, #tpu.memory_space<semaphore_mem>>
        %dma_start3A_16 = arith.constant 0 : i32
        %dma_start3A_17 = tpu.memref_slice %arg4[%add3A_11, %dma_start3A_16] : memref<524288x128xf32, #tpu.memory_space<hbm>> -> memref<512x128xf32, #tpu.memory_space<hbm>>
        %dma_start3A_18 = arith.constant 0 : i32
        %dma_start3A_19 = tpu.memref_slice %arg4[%add3A_11, %dma_start3A_18] : memref<524288x128xf32, #tpu.memory_space<hbm>> -> memref<512x128xf32, #tpu.memory_space<hbm>>
        tpu.enqueue_dma source(%arg6 : memref<512x128xf32, #tpu.memory_space<vmem>>) target(%dma_start3A_19 : memref<512x128xf32, #tpu.memory_space<hbm>>) target_semaphore(%run_scoped3A : memref<!tpu.dma_semaphore, #tpu.memory_space<semaphore_mem>>)
        %dma_wait3A_20 = arith.constant 0 : i32
        %dma_wait3A_21 = tpu.memref_slice %arg4[%add3A_11, %dma_wait3A_20] : memref<524288x128xf32, #tpu.memory_space<hbm>> -> memref<512x128xf32, #tpu.memory_space<hbm>>
        %dma_wait3A_22 = arith.constant 0 : i32
        %dma_wait3A_23 = tpu.memref_slice %arg4[%add3A_11, %dma_wait3A_22] : memref<524288x128xf32, #tpu.memory_space<hbm>> -> memref<512x128xf32, #tpu.memory_space<hbm>>
        tpu.wait_dma2 semaphore(%run_scoped3A : memref<!tpu.dma_semaphore, #tpu.memory_space<semaphore_mem>>) src(%arg6 : memref<512x128xf32, #tpu.memory_space<vmem>>) dst(%dma_wait3A_23 : memref<512x128xf32, #tpu.memory_space<hbm>>)
        tpu.yield
      }) : () -> ()
    }
    %scan3A_7 = arith.constant 32 : i32
    return
  }
}

module attributes {stable_mosaic.version = 14 : i64} {
  func.func @_tc_invs(%arg0: i32, %arg1: memref<1x1x512xi32, #tpu.memory_space<vmem>>, %arg2: memref<1x1x512xi32, #tpu.memory_space<vmem>>, %arg3: memref<64x100xf32, #tpu.memory_space<vmem>>, %arg4: memref<64x7xf32, #tpu.memory_space<vmem>>, %arg5: memref<256x128xf32, #tpu.memory_space<vmem>>, %arg6: memref<256x1xf32, #tpu.memory_space<vmem>>, %arg7: memref<256x256xf32, #tpu.memory_space<vmem>>, %arg8: memref<256x1xf32, #tpu.memory_space<vmem>>, %arg9: memref<8x64x256xf32, #tpu.memory_space<vmem>>) attributes {dimension_semantics = [#tpu.dimension_semantics<arbitrary>], iteration_bounds = array<i64: 32>, scalar_prefetch = 0 : i64, scratch_operands = 0 : i64, tpu.core_type = #tpu.core_type<tc>, window_params = [{transform_indices = @transform_0, window_bounds = array<i64: 1, 1, 512>}, {transform_indices = @transform_1, window_bounds = array<i64: 1, 1, 512>}, {pipeline_mode = #tpu.pipeline_mode<synchronous>, transform_indices = @transform_2, window_bounds = array<i64: 64, 100>}, {pipeline_mode = #tpu.pipeline_mode<synchronous>, transform_indices = @transform_3, window_bounds = array<i64: 64, 7>}, {pipeline_mode = #tpu.pipeline_mode<synchronous>, transform_indices = @transform_4, window_bounds = array<i64: 256, 128>}, {pipeline_mode = #tpu.pipeline_mode<synchronous>, transform_indices = @transform_5, window_bounds = array<i64: 256, 1>}, {pipeline_mode = #tpu.pipeline_mode<synchronous>, transform_indices = @transform_6, window_bounds = array<i64: 256, 256>}, {pipeline_mode = #tpu.pipeline_mode<synchronous>, transform_indices = @transform_7, window_bounds = array<i64: 256, 1>}, {transform_indices = @transform_8, window_bounds = array<i64: 8, 64, 256>}]} {
    %get3A = arith.constant 0 : index
    %get3A_0 = arith.constant 0 : index
    %get3A_1 = arith.constant 0 : index
    %get3A_2 = vector.load %arg1[%get3A, %get3A_0, %get3A_1] : memref<1x1x512xi32, #tpu.memory_space<vmem>>, vector<1x1x512xi32>
    %get3A_3 = vector.shape_cast %get3A_2 : vector<1x1x512xi32> to vector<1x512xi32>
    %get3A_4 = arith.constant 0 : index
    %get3A_5 = arith.constant 0 : index
    %get3A_6 = arith.constant 0 : index
    %get3A_7 = vector.load %arg2[%get3A_4, %get3A_5, %get3A_6] : memref<1x1x512xi32, #tpu.memory_space<vmem>>, vector<1x1x512xi32>
    %get3A_8 = vector.shape_cast %get3A_7 : vector<1x1x512xi32> to vector<1x512xi32>
    %iota3A = tpu.iota {dimensions = array<i32: 0>} : vector<100x512xi32>
    %eq3A = vector.broadcast %get3A_3 : vector<1x512xi32> to vector<100x512xi32>
    %eq3A_9 = arith.cmpi eq, %iota3A, %eq3A : vector<100x512xi32>
    %convert_element_type3A = arith.extui %eq3A_9 : vector<100x512xi1> to vector<100x512xi32>
    %convert_element_type3A_10 = arith.sitofp %convert_element_type3A : vector<100x512xi32> to vector<100x512xf32>
    %iota3A_11 = tpu.iota {dimensions = array<i32: 0>} : vector<7x512xi32>
    %eq3A_12 = vector.broadcast %get3A_8 : vector<1x512xi32> to vector<7x512xi32>
    %eq3A_13 = arith.cmpi eq, %iota3A_11, %eq3A_12 : vector<7x512xi32>
    %convert_element_type3A_14 = arith.extui %eq3A_13 : vector<7x512xi1> to vector<7x512xi32>
    %convert_element_type3A_15 = arith.sitofp %convert_element_type3A_14 : vector<7x512xi32> to vector<7x512xf32>
    %get3A_16 = arith.constant 0 : index
    %get3A_17 = arith.constant 0 : index
    %get3A_18 = vector.load %arg3[%get3A_16, %get3A_17] : memref<64x100xf32, #tpu.memory_space<vmem>>, vector<64x100xf32>
    %dot_general3A = arith.constant dense<0.000000e+00> : vector<64x512xf32>
    %dot_general3A_19 = tpu.matmul %get3A_18, %convert_element_type3A_10, %dot_general3A {dimension_numbers = #tpu.dot_dimension_numbers<[1], [0], [0], [1], [0, 0, 1, 1], [], []>, transpose_lhs_hint = false} : vector<64x100xf32>, vector<100x512xf32>, vector<64x512xf32> -> vector<64x512xf32>
    %get3A_20 = arith.constant 0 : index
    %get3A_21 = arith.constant 0 : index
    %get3A_22 = vector.load %arg4[%get3A_20, %get3A_21] : memref<64x7xf32, #tpu.memory_space<vmem>>, vector<64x7xf32>
    %dot_general3A_23 = arith.constant dense<0.000000e+00> : vector<64x512xf32>
    %dot_general3A_24 = tpu.matmul %get3A_22, %convert_element_type3A_15, %dot_general3A_23 {dimension_numbers = #tpu.dot_dimension_numbers<[1], [0], [0], [1], [0, 0, 1, 1], [], []>, transpose_lhs_hint = false} : vector<64x7xf32>, vector<7x512xf32>, vector<64x512xf32> -> vector<64x512xf32>
    %concatenate3A = tpu.concatenate %dot_general3A_19, %dot_general3A_24 in 0 : vector<64x512xf32>, vector<64x512xf32> -> vector<128x512xf32>
    %get3A_25 = arith.constant 0 : index
    %get3A_26 = arith.constant 0 : index
    %get3A_27 = vector.load %arg5[%get3A_25, %get3A_26] : memref<256x128xf32, #tpu.memory_space<vmem>>, vector<256x128xf32>
    %dot_general3A_28 = arith.constant dense<0.000000e+00> : vector<256x512xf32>
    %dot_general3A_29 = tpu.matmul %get3A_27, %concatenate3A, %dot_general3A_28 {dimension_numbers = #tpu.dot_dimension_numbers<[1], [0], [0], [1], [0, 0, 1, 1], [], []>, transpose_lhs_hint = false} : vector<256x128xf32>, vector<128x512xf32>, vector<256x512xf32> -> vector<256x512xf32>
    %get3A_30 = arith.constant 0 : index
    %get3A_31 = arith.constant 0 : index
    %get3A_32 = vector.load %arg6[%get3A_30, %get3A_31] : memref<256x1xf32, #tpu.memory_space<vmem>>, vector<256x1xf32>
    %add3A = vector.broadcast %get3A_32 : vector<256x1xf32> to vector<256x512xf32>
    %add3A_33 = arith.addf %dot_general3A_29, %add3A : vector<256x512xf32>
    %logistic3A = arith.negf %add3A_33 : vector<256x512xf32>
    %logistic3A_34 = math.exp %logistic3A : vector<256x512xf32>
    %logistic3A_35 = arith.constant 1.000000e+00 : f32
    %logistic3A_36 = vector.broadcast %logistic3A_35 : f32 to vector<256x512xf32>
    %logistic3A_37 = arith.addf %logistic3A_36, %logistic3A_34 : vector<256x512xf32>
    %logistic3A_38 = arith.divf %logistic3A_36, %logistic3A_37 : vector<256x512xf32>
    %mul3A = arith.mulf %add3A_33, %logistic3A_38 : vector<256x512xf32>
    %get3A_39 = arith.constant 0 : index
    %get3A_40 = arith.constant 0 : index
    %get3A_41 = vector.load %arg7[%get3A_39, %get3A_40] : memref<256x256xf32, #tpu.memory_space<vmem>>, vector<256x256xf32>
    %dot_general3A_42 = arith.constant dense<0.000000e+00> : vector<256x512xf32>
    %dot_general3A_43 = tpu.matmul %get3A_41, %mul3A, %dot_general3A_42 {dimension_numbers = #tpu.dot_dimension_numbers<[1], [0], [0], [1], [0, 0, 1, 1], [], []>, transpose_lhs_hint = false} : vector<256x256xf32>, vector<256x512xf32>, vector<256x512xf32> -> vector<256x512xf32>
    %get3A_44 = arith.constant 0 : index
    %get3A_45 = arith.constant 0 : index
    %get3A_46 = vector.load %arg8[%get3A_44, %get3A_45] : memref<256x1xf32, #tpu.memory_space<vmem>>, vector<256x1xf32>
    %add3A_47 = vector.broadcast %get3A_46 : vector<256x1xf32> to vector<256x512xf32>
    %add3A_48 = arith.addf %dot_general3A_43, %add3A_47 : vector<256x512xf32>
    %transpose3A = tpu.transpose %add3A_48, [1, 0] : vector<256x512xf32> -> vector<512x256xf32>
    %reshape3A = vector.shape_cast %transpose3A : vector<512x256xf32> to vector<8x64x256xf32>
    %swap3A = arith.constant 0 : index
    %swap3A_49 = arith.constant 0 : index
    %swap3A_50 = arith.constant 0 : index
    %swap3A_51 = vector.load %arg9[%swap3A, %swap3A_49, %swap3A_50] : memref<8x64x256xf32, #tpu.memory_space<vmem>>, vector<8x64x256xf32>
    tpu.vector_store %arg9[%swap3A, %swap3A_49, %swap3A_50], %reshape3A {strides = array<i32>} : memref<8x64x256xf32, #tpu.memory_space<vmem>>, vector<8x64x256xf32>,
    return
  }
  func.func @transform_0(%arg0: i32) -> (i32, i32, i32) {
    %c0_i32 = arith.constant 0 : i32
    %c0_i32_0 = arith.constant 0 : i32
    %c0_i32_1 = arith.constant 0 : i32
    return %arg0, %c0_i32, %c0_i32_0 : i32, i32, i32
  }
  func.func @transform_1(%arg0: i32) -> (i32, i32, i32) {
    %c0_i32 = arith.constant 0 : i32
    %c0_i32_0 = arith.constant 0 : i32
    %c0_i32_1 = arith.constant 0 : i32
    return %arg0, %c0_i32, %c0_i32_0 : i32, i32, i32
  }
  func.func @transform_2(%arg0: i32) -> (i32, i32) {
    %c0_i32 = arith.constant 0 : i32
    %c0_i32_0 = arith.constant 0 : i32
    %c0_i32_1 = arith.constant 0 : i32
    return %c0_i32, %c0_i32_0 : i32, i32
  }
  func.func @transform_3(%arg0: i32) -> (i32, i32) {
    %c0_i32 = arith.constant 0 : i32
    %c0_i32_0 = arith.constant 0 : i32
    %c0_i32_1 = arith.constant 0 : i32
    return %c0_i32, %c0_i32_0 : i32, i32
  }
  func.func @transform_4(%arg0: i32) -> (i32, i32) {
    %c0_i32 = arith.constant 0 : i32
    %c0_i32_0 = arith.constant 0 : i32
    %c0_i32_1 = arith.constant 0 : i32
    return %c0_i32, %c0_i32_0 : i32, i32
  }
  func.func @transform_5(%arg0: i32) -> (i32, i32) {
    %c0_i32 = arith.constant 0 : i32
    %c0_i32_0 = arith.constant 0 : i32
    %c0_i32_1 = arith.constant 0 : i32
    return %c0_i32, %c0_i32_0 : i32, i32
  }
  func.func @transform_6(%arg0: i32) -> (i32, i32) {
    %c0_i32 = arith.constant 0 : i32
    %c0_i32_0 = arith.constant 0 : i32
    %c0_i32_1 = arith.constant 0 : i32
    return %c0_i32, %c0_i32_0 : i32, i32
  }
  func.func @transform_7(%arg0: i32) -> (i32, i32) {
    %c0_i32 = arith.constant 0 : i32
    %c0_i32_0 = arith.constant 0 : i32
    %c0_i32_1 = arith.constant 0 : i32
    return %c0_i32, %c0_i32_0 : i32, i32
  }
  func.func @transform_8(%arg0: i32) -> (i32, i32, i32) {
    %c0_i32 = arith.constant 0 : i32
    %c0_i32_0 = arith.constant 0 : i32
    %c0_i32_1 = arith.constant 0 : i32
    return %arg0, %c0_i32, %c0_i32_0 : i32, i32, i32
  }
}

</mosaic_0001>

<sc_bundles>
// kernel: kernel.4.cloned.1.call-start
scs
__scs_entry_jumppad:
0x0: {  	(pc) =	sbr.rel $0x88, $3  }
0x1: {  	(tag) =	ssettag $0x0;
	lr =	simm.s32 $0x1  }
0x2: {  	[smem:$0x3F97] =	sst lr;
	_ =	strace $0xD0000000  }
0x3: {  	_ = 	snop  }
0x4: {  	_ = 	snop  }
0x5: {  	_ = 	snop  }
0x6: {  	_ = 	snop  }
0x7: {  	_ = 	snop  }
__scs_overlays_trampoline_lowered:
0x8: {  	[smem:$0x3FA6] =	sst s0  }
0x9: {  	[smem:$0x3FA7] =	sst s1  }
0xa: {  	[smem:$0x3FA8] =	sst s2  }
0xb: {  	[smem:$0x3FA9] =	sst s3  }
0xc: {  	[smem:$0x3FAA] =	sst s4  }
0xd: {  	[smem:$0x3FAB] =	sst s5  }
0xe: {  	[smem:$0x3FAC] =	sst s6  }
0xf: {  	[smem:$0x3FAD] =	sst s7  }
0x10: {  	[smem:$0x3FAE] =	sst s8  }
0x11: {  	[smem:$0x3FAF] =	sst s9;
	s0 =	simm.s32 @!p0 $0x0  }
0x12: {  	s1 =	sld [smem:$0x3F95];
	s0 =	simm.s32 @p0 $0x1  }
0x13: {  	[smem:$0x3FB0] =	sst s0;
	s0 =	simm.s32 @!p1 $0x0  }
0x14: {  	s2 =	sld [smem:$0x3F94];
	s0 =	simm.s32 @p1 $0x1  }
0x15: {  	[smem:$0x3FB1] =	sst s0;
	s0 =	simm.s32 @!p2 $0x0  }
0x16: {  	s3 =	sld [smem:$0x3FDB];
	s0 =	simm.s32 @p2 $0x1  }
0x17: {  	s4 =	simm.s32 $0x1BF5;
	[smem:$0x3FB3] =	sst s0  }
0x18: {  	s0 =	sld [smem:$0x3F96];
	_ =	swait.ge [sflag:s4], $0x0  }
0x19: {  	s7 =	sld [smem:$0x3F97]  }
0x1a: {  	s8 =	sadd.s32 $0xFFFFE003, lr  }
0x1b: {  	s9 =	sadd.s32 $0xFFFFFEF7, lr;
	s5 =	simm.s32 $0xFFFFFFFF;
	p2 =	slt.u32 s8, $0xFFFFF086  }
0x1c: {  	p1 =	slt.u32 s9, $0xF7A;
	s5 =	simm.s32 @!p2 $0x0  }
0x1d: {  	s5 =	simm.s32 @p1 $0x1;
	p0 =	seq.s32 s7, s2  }
0x1e: {  	s7 =	smul.u32 @!p0 $0xF7A, s2;
	p2 =	seq.s32 @!p0 s5, $0x0  }
0x1f: {  	s9 =	smul.u32 $0xF7A, s1;
	s8 =	simm.s32 @!p0 $0x1BF5;
	p2 =	por !p2, p0  }
0x20: {  	[sflag:s8] =	ssyncset.s32 @!p0 $0xFFFFF086;
	s6 =	sadd.s32 @!p0 s3, s7;
	s7 =	simm.s32 @!p0 $0x108  }
0x21: {  	s3 =	sadd.s32 s3, s9;
	s6 =	sadd.s32 @!p0 $0x88, s6;
	s7 =	simm.s32 @p2 $0x1082  }
0x22: {  	[simem:s7], [sflag:s8] =	dma.local @!p0 [hbm:s6], $0xF7A  }
0x23: {  	s9 =	sor.u32 $0xD0000000, s2;
	s6 =	simm.s32 $0x108;
	_ =	swait.ge @!p0 [sflag:s8], $0x0  }
0x24: {  	s3 =	sadd.s32 $0x88, s3;
	s6 =	simm.s32 @!p1 $0x1082;
	[sflag:s4] =	ssyncset.s32 $0xFFFFF086  }
0x25: {  	[simem:s6], [sflag:s4] =	dma.local [hbm:s3], $0xF7A  }
0x26: {  	[smem:$0x3F97] =	sst s1;
	(tag) =	ssettag s2;
	_ =	strace s9  }
0x27: {  	s1 =	sld [smem:$0x3FA7]  }
0x28: {  	s2 =	sld [smem:$0x3FA8]  }
0x29: {  	s4 =	sld [smem:$0x3FAA]  }
0x2a: {  	p0 =	seq.s32 s5, $0x0;
	s5 =	sld [smem:$0x3FAB]  }
0x2b: {  	s6 =	sld [smem:$0x3FAC]  }
0x2c: {  	s7 =	sld [smem:$0x3FAD]  }
0x2d: {  	s3 =	simm.s32 $0x108;
	s8 =	sld [smem:$0x3FAE]  }
0x2e: {  	s3 =	simm.s32 @!p0 $0x1082;
	s9 =	sld [smem:$0x3FAF]  }
0x2f: {  	lr =	sadd.s32 s0, s3;
	s0 =	sld [smem:$0x3FA6]  }
0x30: {  	s3 =	sld [smem:$0x3FA9]  }
0x31: {  	[smem:$0x3FB2] =	sst s10  }
0x32: {  	s10 =	sld [smem:$0x3FB0];
	_ =	sdelay $0x3  }
0x33: {  	p0 =	seq.s32 s10, $0x1;
	s10 =	sld [smem:$0x3FB2];
	_ =	sdelay $0x3  }
0x34: {  	[smem:$0x3FB2] =	sst s10  }
0x35: {  	s10 =	sld [smem:$0x3FB1];
	_ =	sdelay $0x3  }
0x36: {  	p1 =	seq.s32 s10, $0x1;
	s10 =	sld [smem:$0x3FB2];
	_ =	sdelay $0x3  }
0x37: {  	[smem:$0x3FB2] =	sst s10  }
0x38: {  	s10 =	sld [smem:$0x3FB3]  }
0x39: {  	_ = 	snop;
	(pc) =	sbr.ind lr, $3  }
0x3a: {  	_ = 	snop  }
0x3b: {  	_ = 	snop  }
0x3c: {  	p2 =	seq.s32 s10, $0x1;
	s10 =	sld [smem:$0x3FB2]  }
0x3d: {  	_ =	shalt  }
0x3e: {  	_ =	shalt  }
0x3f: {  	_ =	shalt  }
0x40: {  	_ =	shalt  }
0x41: {  	_ =	shalt  }
0x42: {  	_ =	shalt  }
0x43: {  	_ =	shalt  }
0x44: {  	_ =	shalt  }
0x45: {  	_ =	shalt  }
0x46: {  	_ =	shalt  }
0x47: {  	_ =	shalt  }
0x48: {  	_ =	shalt  }
0x49: {  	_ =	shalt  }
0x4a: {  	_ =	shalt  }
0x4b: {  	_ =	shalt  }
0x4c: {  	_ =	shalt  }
0x4d: {  	_ =	shalt  }
0x4e: {  	_ =	shalt  }
0x4f: {  	_ =	shalt  }
0x50: {  	_ =	shalt  }
0x51: {  	_ =	shalt  }
0x52: {  	_ =	shalt  }
0x53: {  	_ =	shalt  }
0x54: {  	_ =	shalt  }
0x55: {  	_ =	shalt  }
0x56: {  	_ =	shalt  }
0x57: {  	_ =	shalt  }
0x58: {  	_ =	shalt  }
0x59: {  	_ =	shalt  }
0x5a: {  	_ =	shalt  }
0x5b: {  	_ =	shalt  }
0x5c: {  	_ =	shalt  }
0x5d: {  	_ =	shalt  }
0x5e: {  	_ =	shalt  }
0x5f: {  	_ =	shalt  }
0x60: {  	_ =	shalt  }
0x61: {  	_ =	shalt  }
0x62: {  	_ =	shalt  }
0x63: {  	_ =	shalt  }
0x64: {  	_ =	shalt  }
0x65: {  	_ =	shalt  }
0x66: {  	_ =	shalt  }
0x67: {  	_ =	shalt  }
0x68: {  	_ =	shalt  }
0x69: {  	_ =	shalt  }
0x6a: {  	_ =	shalt  }
0x6b: {  	_ =	shalt  }
0x6c: {  	_ =	shalt  }
0x6d: {  	_ =	shalt  }
0x6e: {  	_ =	shalt  }
0x6f: {  	_ =	shalt  }
0x70: {  	_ =	shalt  }
0x71: {  	_ =	shalt  }
0x72: {  	_ =	shalt  }
0x73: {  	_ =	shalt  }
0x74: {  	_ =	shalt  }
0x75: {  	_ =	shalt  }
0x76: {  	_ =	shalt  }
0x77: {  	_ =	shalt  }
0x78: {  	_ =	shalt  }
0x79: {  	_ =	shalt  }
0x7a: {  	_ =	shalt  }
0x7b: {  	_ =	shalt  }
0x7c: {  	_ =	shalt  }
0x7d: {  	_ =	shalt  }
0x7e: {  	_ =	shalt  }
0x7f: {  	_ =	shalt  }
0x80: {  	_ =	shalt  }
0x81: {  	_ =	shalt  }
0x82: {  	_ =	shalt  }
0x83: {  	_ =	shalt  }
0x84: {  	_ =	shalt  }
0x85: {  	_ =	shalt  }
0x86: {  	_ =	shalt  }
0x87: {  	_ =	shalt  }
.Lfunc_end0:
.L_simem_size_0:
called_computation.1_lowered:
.L_overlay_start_0:
0x88: {  	s2 =	sld [smem:$0x3FD9]  }
0x89: {  	s3 =	sld [smem:$0x3FFE];
	_ =	sdelay $0x1  }
0x8a: {  	s1 =	srdreg.scid  }
0x8b: {  	s0 =	sand.u32 $0x1, s1  }
0x8c: {  	s14 =	sshll.u32 s0, $0xA;
	s2 =	sadd.s32 s3, s2  }
0x8d: {  	s2 =	sadd.s32 s2, s14  }
0x8e: {  	[smem:$0x3FBE] =	sst s2  }
0x8f: {  	_ = 	snop  }
0x90: {  	s2 =	sld [smem:$0x3FD0];
	_ =	sdelay $0x2  }
0x91: {  	s15 =	simm.s32 $0xA;
	s4 =	simm.s32 $0x10  }
0x92: {  	[smem:s4], [sflag:s15] =	dma.local [hbm:s2], $0x1  }
0x93: {  	_ =	swait.eq [sflag:s15], $0x1  }
0x94: {  	[sflag:s15] =	ssyncset.done $0x0  }
0x95: {  	s16 =	sld [smem:$0x10];
	[sflag:s15] =	ssyncadd.s32 $0xFFFFFFFF  }
0x96: {  	s17 =	sld [smem:$0x11];
	(tm) =	ssettm $0x1  }
0x97: {  	s18 =	sld [smem:$0x3FFB];
	_ =	sdelay $0x3  }
0x98: {  	_ =	strace s18  }
0x99: {  	s4 =	sld [smem:$0x3FFC];
	_ =	sdelay $0x3  }
0x9a: {  	_ =	strace s4  }
0x9b: {  	s4 =	sld [smem:$0x3FFD];
	_ =	sdelay $0x3  }
0x9c: {  	_ =	strace s4  }
0x9d: {  	_ =	strace $0x8FFFFFFF  }
0x9e: {  	s19 =	sld [smem:$0x3FDB];
	_ =	sdelay $0x1  }
0x9f: {  	s5 =	simm.s32 $_scs_section_size  }
0xa0: {  	s6 =	simm.s32 $_size__tile_overlayer_lowered;
	s7 =	simm.s32 $_tile_overlayer_lowered  }
0xa1: {  	s22 =	simm.s32 $0x1BFF;
	s21 =	sshll.u32 s7, $0x1;
	s4 =	sadd.s32 s5, s19  }
0xa2: {  	s8 =	simm.s32 $0x0;
	s20 =	sshll.u32 s6, $0x1;
	s6 =	sadd.s32 s21, s4  }
0xa3: {  	[timem:s8], [sflag:s22] =	dma.local [hbm:s6], s20  }
0xa4: {  	_ =	swait.ge [sflag:s22], s20  }
0xa5: {  	s5 =	ssub.s32 $0x0, s20;
	[sflag:s22] =	ssyncset.done $0x0  }
0xa6: {  	[sflag:s22] =	ssyncadd.s32 s5;
	_ =	sdelay $0x1  }
0xa7: {  	s23 =	simm.s32 $0x1B8B  }
0xa8: {  	_ =	swait.ge [sflag:s23], $0x1  }
0xa9: {  	[sflag:s23] =	ssyncset.done $0x0  }
0xaa: {  	s25 =	simm.s32 $0x1B8E;
	s24 =	sld [smem:$0x3FFE];
	[sflag:s23] =	ssyncadd.s32 $0xFFFFFFFF  }
0xab: {  	s26 =	simm.s32 $execute0_lowered;
	[smem:$0x3FD2] =	sst s25  }
0xac: {  	s6 =	sshll.u32 s26, $0x1;
	_ =	strace $0x80000046;
	[dreg:$0x1] =	wrdreg $0xFFFFFFFF  }
0xad: {  	s28 =	simm.s32 $_size_execute0_lowered;
	s4 =	sadd.s32 s4, s6;
	[dreg:$0x0] =	wrdreg $0x0  }
0xae: {  	s6 =	sshll.u32 s28, $0x1;
	[dreg:$0x2] =	wrdreg s4  }
0xaf: {  	[dreg:$0x3] =	wrdreg s6  }
0xb0: {  	[dreg:$0x4] =	wrdreg $0xC0  }
0xb1: {  	_ =	task [dreg:s8], $0x5FFFF  }
0xb2: {  	[dreg:$0x1] =	wrdreg $0xFFFFFFFF  }
0xb3: {  	[dreg:$0x0] =	wrdreg $0x60  }
0xb4: {  	[dreg:$0x2] =	wrdreg s24  }
0xb5: {  	[dreg:$0x3] =	wrdreg s16  }
0xb6: {  	[dreg:$0x4] =	wrdreg s17  }
0xb7: {  	[dreg:$0x5] =	wrdreg $0x9  }
0xb8: {  	_ =	task.clear_ibuf [dreg:s8], $0x6FFFF;
	_ =	strace $0x90000046  }
0xb9: {  	s29 =	simm.s32 $0x9;
	_ =	strace $0x80000048  }
0xba: {  	_ =	swait.ge [sflag:s29], $0x1  }
0xbb: {  	[sflag:s29] =	ssyncadd.s32 $0xFFFFFFFF  }
0xbc: {  	_ =	strace $0x90000048  }
0xbd: {  	_ =	sfence  }
0xbe: {  	s30 =	sld [smem:$0x0];
	_ =	sdelay $0x2  }
0xbf: {  	s31 =	sshll.u32 s1, $0xD;
	s1 =	sshrl.u32 s1, $0x2  }
0xc0: {  	s3 =	sand.u32 $0x4000, s31;
	s1 =	sadd.s32 s1, s30  }
0xc1: {  	s0 =	sor.u32 s3, s0;
	s1 =	sshll.u32 s1, $0x11  }
0xc2: {  	s0 =	sor.u32 s1, s0  }
0xc3: {  	s0 =	sadd.s32 $0x8F2B, s0  }
0xc4: {  	[sflag:s0] =	ssyncadd.remote.s32 $0x1  }
0xc5: {  	_ =	sfence.sel $0xFFFF  }
0xc6: {  	[dreg:$0x0] =	wrdreg $0xFFFFFFFF;
	(pc) =	sbr.abs _section_cstart, $3  }
0xc7: {  	[dreg:$0x1] =	wrdreg $0xFFFFFFFF  }
0xc8: {  	_ =	task.clear_ibuf [dreg:s8], $0x2FFFF;
	_ =	strace $0x9FFFFFFF  }
0xc9: {  	(tm) =	ssettm $0x7FFFFFFF  }
tec
execute0_lowered:
.L_overlay_start_1:
0x0: {  	(tag) =	ssettag $0x1  }
0x1: {  	s2 =	rddreg [dreg:$0x0]  }
0x2: {  	s6 =	rddreg [dreg:$0x1]  }
0x3: {  	s5 =	rddreg [dreg:$0x2]  }
0x4: {  	s0 =	rddreg [dreg:$0x3];
	s1 =	simm.s32 $0x0  }
0x5: {  	s3 =	srdreg.scid;
	[smem:$0x7FF] =	sst s1  }
0x6: {  	s7 =	sand.u32 $0x1, s3;
	s3 =	sadd.s32 $0x1A00, s2;
	s2 =	stileid.u32  }
0x7: {  	_ =	strace $0x80000047;
	s4 =	ssub.s32 $0x2, s7;
	s31 =	sshll.u32 s2, $0xF  }
0x8: {  	s9 =	sshll.u32 s7, $0xE;
	s10 =	sshll.u32 s2, $0x13;
	s7 =	sshll.u32 s7, $0x12  }
0x9: {  	s8 =	sshrl.u32 s4, $0x1;
	s5 =	sadd.s32 s10, s5;
	s10 =	simm.s32 $0x0  }
0xa: {  	s4 =	ssub.s32 s4, s8;
	s8 =	sor.u32 s9, s31;
	s5 =	sadd.s32 s7, s5  }
0xb: {  	s7 =	simm.s32 $0x2;
	s9 =	simm.s32 $0x1;
	s8 =	sshrl.u32 s8, $0x3  }
0xc: {  	s4 =	smax.u32 s4, $0x1;
	s6 =	sadd.s32 s8, s6;
	s8 =	simm.s32 $0x200  }
.LBB2_1:
0xd: {  	s11 =	sadd.s32 $0x0, s6  }
0xe: {  	[tilespmem:s1], [sflag:$0x2] =	stream.linear.gather [hbm4b:s11+s1], $0x200, $0x38;
	[tilespmem:$0x10200] =	vst v63  }
0xf: {  	_ =	swait.ge [sflag:s7], $0x200  }
0x10: {  	[sflag:s7] =	ssyncset.done $0x0  }
0x11: {  	[sflag:s7] =	ssyncadd.s32 $0xFFFFFE00  }
0x12: {  	[tilespmem:s8], [sflag:$0x1] =	stream.indirect.gather [hbm4b:s3+s8], $0x80, s1, s8, $0xb8;
	[tilespmem:$0x10200] =	vst v63  }
0x13: {  	_ =	swait.ge [sflag:s9], $0x10000  }
0x14: {  	[sflag:s9] =	ssyncset.done $0x0  }
0x15: {  	[sflag:s9] =	ssyncadd.s32 $0xFFFF0000  }
0x16: {  	[hbm4b:s5+s1] =	stream.linear.scatter [tilespmem:s8], [sflag:$0x2], $0x10000, $0x38;
	[tilespmem:$0x10200] =	vst v63  }
0x17: {  	s12 =	simm.s32 $0x40;
	_ =	swait.ge [sflag:s7], $0x10000  }
0x18: {  	s13 =	simm.s32 $0x80;
	s11 =	sadd.s32 $0x2000, s5;
	[sflag:s7] =	ssyncset.done $0x0  }
.LBB2_2:
0x19: {  	s14 =	sadd.s32 s12, s6  }
0x1a: {  	[sflag:s7] =	ssyncadd.s32 $0xFFFF0000;
	s12 =	smov.u32 s13;
	s15 =	sadd.s32 $0x40, s13  }
0x1b: {  	[tilespmem:s1], [sflag:$0x2] =	stream.linear.gather [hbm4b:s14+s1], $0x200, $0x38;
	[tilespmem:$0x10200] =	vst v63  }
0x1c: {  	p0 =	sne.s32 s13, $0x7C0;
	_ =	swait.ge [sflag:s7], $0x200  }
0x1d: {  	[sflag:s7] =	ssyncset.done $0x0  }
0x1e: {  	[sflag:s7] =	ssyncadd.s32 $0xFFFFFE00  }
0x1f: {  	[tilespmem:s8], [sflag:$0x1] =	stream.indirect.gather [hbm4b:s3+s8], $0x80, s1, s8, $0xb8;
	[tilespmem:$0x10200] =	vst v63  }
0x20: {  	_ =	swait.ge [sflag:s9], $0x10000  }
.Ltmp0:
0x21: {  	[sflag:s9] =	ssyncset.done $0x0;
	(pc) =	sbr.rel @p0 .LBB2_2-.Ltmp0, $4  }
0x22: {  	[sflag:s9] =	ssyncadd.s32 $0xFFFF0000  }
0x23: {  	[hbm4b:s11+s1] =	stream.linear.scatter [tilespmem:s8], [sflag:$0x2], $0x10000, $0x38;
	[tilespmem:$0x10200] =	vst v63  }
0x24: {  	_ =	swait.ge [sflag:s7], $0x10000  }
0x25: {  	s13 =	smov.u32 s15;
	s11 =	sadd.s32 $0x2000, s11;
	[sflag:s7] =	ssyncset.done $0x0  }
0x26: {  	s12 =	sadd.s32 s12, s6;
	[sflag:s7] =	ssyncadd.s32 $0xFFFF0000  }
0x27: {  	[tilespmem:s1], [sflag:$0x2] =	stream.linear.gather [hbm4b:s12+s1], $0x200, $0x38;
	[tilespmem:$0x10200] =	vst v63  }
0x28: {  	_ =	swait.ge [sflag:s7], $0x200  }
0x29: {  	[sflag:s7] =	ssyncset.done $0x0  }
0x2a: {  	[sflag:s7] =	ssyncadd.s32 $0xFFFFFE00  }
0x2b: {  	[tilespmem:s8], [sflag:$0x1] =	stream.indirect.gather [hbm4b:s3+s8], $0x80, s1, s8, $0xb8;
	[tilespmem:$0x10200] =	vst v63  }
0x2c: {  	s10 =	sadd.s32 $0x1, s10;
	_ =	swait.ge [sflag:s9], $0x10000  }
0x2d: {  	p0 =	sne.s32 s10, s4;
	[sflag:s9] =	ssyncset.done $0x0  }
.Ltmp1:
0x2e: {  	[sflag:s9] =	ssyncadd.s32 $0xFFFF0000;
	(pc) =	sbr.rel @p0 .LBB2_1-.Ltmp1, $4  }
0x2f: {  	[hbm4b:s11+s1] =	stream.linear.scatter [tilespmem:s8], [sflag:$0x2], $0x10000, $0x38;
	[tilespmem:$0x10200] =	vst v63  }
0x30: {  	_ =	swait.ge [sflag:s7], $0x10000  }
0x31: {  	[sflag:s7] =	ssyncset.done $0x0  }
0x32: {  	[sflag:s7] =	ssyncadd.s32 $0xFFFF0000  }
0x33: {  	_ =	sfence.sel $0x180000  }
0x34: {  	[bflag:$0x0] =	sbarrier.arrive $0xFFFF  }
0x35: {  	p0 =	sne.s32 s2, $0x0;
	_ =	strace $0x90000047  }
0x36: {  	s0 =	sadd.s32 @!p0 $0x100000, s0;
	[bflag:$0x2] =	sbarrier.arrive $0xFFFF  }
0x37: {  	[sflag:s0] =	ssyncadd.tile.s32 @!p0 $0x1;
	_ =	shalt  }
.Lfunc_end2:
_tile_overlayer_lowered:
.L_overlay_start_2:
0x38: {  	(tag) =	ssettag $0x2  }
0x39: {  	s0 =	rddreg [dreg:$0x0];
	s2 =	stileid.u32  }
0x3a: {  	s1 =	rddreg [dreg:$0x1];
	p0 =	sne.s32 s2, $0x0  }
0x3b: {  	s3 =	rddreg [dreg:$0x2];
	[bflag:$0x3] =	sbarrier.arrive $0xFFFF;
	s2 =	simm.s32 @!p0 $0x1C02  }
0x3c: {  	[timem:s3], [sflag:s2] =	dma.local @!p0 [hbm:s0], s1  }
0x3d: {  	s0 =	simm.s32 @!p0 $0x2  }
0x3e: {  	_ =	swait.ge @!p0 [sflag:s0], s1  }
0x3f: {  	s1 =	ssub.s32 @!p0 $0x0, s1;
	[sflag:s0] =	ssyncset.done @!p0 $0x0  }
0x40: {  	[sflag:s0] =	ssyncadd.s32 @!p0 s1  }
0x41: {  	[bflag:$0x3] =	sbarrier.arrive $0xFFFF  }
0x42: {  	_ =	shalt  }

// kernel: sparse-core-data-format-call.cloned.1.call-start
scs
called_computation_lowered:
.L_overlay_start_0:
0x0: {  	s2 =	sld [smem:$0x3FD9]  }
0x1: {  	s3 =	sld [smem:$0x3FFE];
	_ =	sdelay $0x1  }
0x2: {  	s1 =	srdreg.scid  }
0x3: {  	s0 =	sand.u32 $0x1, s1  }
0x4: {  	s15 =	sshll.u32 s0, $0xA;
	s2 =	sadd.s32 s3, s2  }
0x5: {  	s2 =	sadd.s32 s2, s15  }
0x6: {  	[smem:$0x3FBE] =	sst s2  }
0x7: {  	_ = 	snop  }
0x8: {  	s2 =	sld [smem:$0x3FD0];
	_ =	sdelay $0x2  }
0x9: {  	s16 =	simm.s32 $0xA;
	s4 =	simm.s32 $0x10  }
0xa: {  	[smem:s4], [sflag:s16] =	dma.local [hbm:s2], $0x1  }
0xb: {  	_ =	swait.eq [sflag:s16], $0x1  }
0xc: {  	[sflag:s16] =	ssyncset.done $0x0  }
0xd: {  	[sflag:s16] =	ssyncadd.s32 $0xFFFFFFFF  }
0xe: {  	s17 =	sld [smem:$0x11];
	(tm) =	ssettm $0x1  }
0xf: {  	s18 =	sld [smem:$0x3FFB];
	_ =	sdelay $0x3  }
0x10: {  	_ =	strace s18  }
0x11: {  	s3 =	sld [smem:$0x3FFC];
	_ =	sdelay $0x3  }
0x12: {  	_ =	strace s3  }
0x13: {  	s3 =	sld [smem:$0x3FFD];
	_ =	sdelay $0x3  }
0x14: {  	_ =	strace s3  }
0x15: {  	_ =	strace $0x8FFFFFFF  }
0x16: {  	s19 =	sld [smem:$0x3FDB];
	_ =	sdelay $0x1  }
0x17: {  	s20 =	simm.s32 $_scs_section_size  }
0x18: {  	s5 =	simm.s32 $_size__tile_overlayer_lowered;
	s6 =	simm.s32 $_tile_overlayer_lowered  }
0x19: {  	s23 =	simm.s32 $0x1BFF;
	s22 =	sshll.u32 s6, $0x1;
	s3 =	sadd.s32 s20, s19  }
0x1a: {  	s7 =	simm.s32 $0x0;
	s21 =	sshll.u32 s5, $0x1;
	s5 =	sadd.s32 s22, s3  }
0x1b: {  	[timem:s7], [sflag:s23] =	dma.local [hbm:s5], s21  }
0x1c: {  	_ =	swait.ge [sflag:s23], s21  }
0x1d: {  	s4 =	ssub.s32 $0x0, s21;
	[sflag:s23] =	ssyncset.done $0x0  }
0x1e: {  	[sflag:s23] =	ssyncadd.s32 s4;
	_ =	sdelay $0x1  }
0x1f: {  	s24 =	simm.s32 $0x1B8B  }
0x20: {  	_ =	swait.ge [sflag:s24], $0x1  }
0x21: {  	[sflag:s24] =	ssyncset.done $0x0  }
0x22: {  	s26 =	simm.s32 $0x1B8E;
	s25 =	sld [smem:$0x3FFE];
	[sflag:s24] =	ssyncadd.s32 $0xFFFFFFFF  }
0x23: {  	s27 =	simm.s32 $execute0_lowered;
	[smem:$0x3FD2] =	sst s26  }
0x24: {  	s5 =	sshll.u32 s27, $0x1;
	_ =	strace $0x80000049;
	[dreg:$0x1] =	wrdreg $0xFFFFFFFF  }
0x25: {  	s28 =	simm.s32 $_size_execute0_lowered;
	s3 =	sadd.s32 s3, s5;
	[dreg:$0x0] =	wrdreg $0x0  }
0x26: {  	s5 =	sshll.u32 s28, $0x1;
	[dreg:$0x2] =	wrdreg s3  }
0x27: {  	[dreg:$0x3] =	wrdreg s5  }
0x28: {  	[dreg:$0x4] =	wrdreg $0xC0  }
0x29: {  	_ =	task [dreg:s7], $0x5FFFF  }
0x2a: {  	[dreg:$0x1] =	wrdreg $0xFFFFFFFF  }
0x2b: {  	[dreg:$0x0] =	wrdreg $0x60  }
0x2c: {  	[dreg:$0x2] =	wrdreg s25  }
0x2d: {  	[dreg:$0x3] =	wrdreg s17  }
0x2e: {  	[dreg:$0x4] =	wrdreg $0x9  }
0x2f: {  	_ =	task.clear_ibuf [dreg:s7], $0x5FFFF;
	_ =	strace $0x90000049  }
0x30: {  	s29 =	simm.s32 $0x9;
	_ =	strace $0x8000004B  }
0x31: {  	_ =	swait.ge [sflag:s29], $0x1  }
0x32: {  	[sflag:s29] =	ssyncadd.s32 $0xFFFFFFFF  }
0x33: {  	_ =	strace $0x9000004B  }
0x34: {  	_ =	sfence  }
0x35: {  	s30 =	sld [smem:$0x0];
	_ =	sdelay $0x2  }
0x36: {  	s31 =	sshll.u32 s1, $0xD;
	s1 =	sshrl.u32 s1, $0x2  }
0x37: {  	s3 =	sand.u32 $0x4000, s31;
	s1 =	sadd.s32 s1, s30  }
0x38: {  	s0 =	sor.u32 s3, s0;
	s1 =	sshll.u32 s1, $0x11  }
0x39: {  	s0 =	sor.u32 s1, s0  }
0x3a: {  	s0 =	sadd.s32 $0x8F2B, s0  }
0x3b: {  	[sflag:s0] =	ssyncadd.remote.s32 $0x1  }
0x3c: {  	_ =	sfence.sel $0xFFFF  }
0x3d: {  	[dreg:$0x0] =	wrdreg $0xFFFFFFFF;
	(pc) =	sbr.abs _section_cstart, $3  }
0x3e: {  	[dreg:$0x1] =	wrdreg $0xFFFFFFFF  }
0x3f: {  	_ =	task.clear_ibuf [dreg:s7], $0x2FFFF;
	_ =	strace $0x9FFFFFFF  }
0x40: {  	(tm) =	ssettm $0x7FFFFFFF  }
0x41: {  	_ =	shalt  }
tec
execute0_lowered:
.L_overlay_start_1:
0x0: {  	(tag) =	ssettag $0x1  }
0x1: {  	s4 =	rddreg [dreg:$0x0]  }
0x2: {  	s0 =	stileid.u32;
	s2 =	rddreg [dreg:$0x1]  }
0x3: {  	s5 =	srdreg.scid;
	s31 =	simm.s32 $0x2;
	s14 =	simm.s32 $0x0  }
0x4: {  	p0 =	por $0x0, $0x0;
	s9 =	simm.s32 $0x800;
	s16 =	simm.s32 $0x0  }
0x5: {  	s15 =	simm.s32 $0x0;
	s10 =	simm.s32 $0x0;
	s1 =	sshll.u32 s0, $0x7  }
0x6: {  	s13 =	simm.s32 $0x0;
	s5 =	sshll.u32 s5, $0x4;
	s3 =	sand.u32 $0x80, s1  }
0x7: {  	s4 =	sadd.s32 $0x1A00, s4;
	s1 =	rddreg [dreg:$0x2];
	s7 =	ssub.s32 $0x100, s3  }
.Ltmp0:
0x8: {  	s5 =	sand.u32 $0x10, s5;
	s6 =	sshll.u32 s7, $0x1;
	(pc) =	sbr.rel .LBB1_1-.Ltmp0, $4  }
0x9: {  	_ =	strace $0x8000004A;
	s5 =	sor.u32 s0, s5;
	s8 =	sand.u32 $0x100, s6  }
0xa: {  	s12 =	smov.u32 s3;
	s6 =	simm.s32 $0x1;
	s7 =	sadd.s32 s7, s8  }
0xb: {  	s5 =	sshrl.u32 s5, $0x1;
	[sflag:s6] =	ssyncpa.u1 $0x0;
	s7 =	sand.u32 $0x300, s7  }
0xc: {  	s11 =	smov.u32 s5;
	[sflag:s31] =	ssyncpa.u1 $0x0;
	s8 =	sor.u32 $0x1, s7  }
.LBB1_4:
0xd: {  	s19 =	sand.u32 $0x780, s15  }
0xe: {  	s16 =	sshll.u32 s16, $0x11;
	s20 =	sshrl.u32 s15, $0x3;
	s19 =	sadd.s32 s2, s19  }
0xf: {  	[tilespmem:s18+$0x810 ss:$0x81] =	vst.msk $0xffff, v2;
	s31 =	sand.u32 $0x7, s15;
	s20 =	sand.u32 $0xF, s20;
	s16 =	sadd.s32 s16, s19  }
0x10: {  	[tilespmem:s18+$0x1020 ss:$0x81] =	vst.msk $0xffff, v0;
	s14 =	sshll.u32 s14, $0xB;
	s15 =	sshll.u32 s31, $0x12;
	s16 =	sadd.s32 s20, s16  }
0x11: {  	[tilespmem:s18+$0x0 ss:$0x81] =	vst.msk $0xffff, v1;
	s15 =	sor.u32 $0x400, s15;
	s14 =	sadd.s32 s14, s16  }
0x12: {  	[hbm4b:s14+s15] =	stream.strided.scatter [tilespmem:s17], [sflag:$0x2], $0x2000, s9, s15, $0x20;
	[tilespmem:$0x8080] =	vst v63  }
.LBB1_5:
0x13: {  	s17 =	sadd.s32 $0x1, s10  }
0x14: {  	s14 =	sadd.s32 $0x10, s11;
	s18 =	smov.u32 s11;
	p2 =	sgt.s32 s17, $0x3F  }
0x15: {  	s18 =	smov.u32 @p2 s14  }
0x16: {  	s20 =	smov.u32 s12;
	s14 =	sadd.s32 $0x100, s12;
	p3 =	sgt.s32 s18, $0x3F  }
0x17: {  	s20 =	smov.u32 @p3 s14  }
0x18: {  	s17 =	simm.s32 @p2 $0x0;
	p2 =	sgt.s32 s20, $0xFF  }
0x19: {  	p1 =	slt.u32 s13, $0x2;
	s20 =	smov.u32 @p2 s3;
	p2 =	sne.s32 s13, s8  }
.Ltmp1:
0x1a: {  	s19 =	simm.s32 @!p1 $0x2;
	(pc) =	sbr.rel @!p2 .LBB1_6-.Ltmp1, $4  }
0x1b: {  	s16 =	smov.u32 s11;
	s15 =	smov.u32 s12;
	_ =	swait.ge @!p1 [sflag:s19], $0x2000  }
0x1c: {  	p0 =	por !p0, !p0;
	[sflag:s19] =	ssyncset.done @!p1 $0x0;
	s18 =	smov.u32 @p3 s5  }
0x1d: {  	s14 =	smov.u32 s10;
	[sflag:s19] =	ssyncadd.s32 @!p1 $0xFFFFE000;
	s10 =	smov.u32 s17  }
0x1e: {  	s11 =	smov.u32 s18;
	s13 =	sadd.s32 $0x1, s13;
	s12 =	smov.u32 s20  }
.LBB1_1:
0x1f: {  	p1 =	sge.u32 s13, s7;
	s31 =	sadd.s32 $0xFFFFFFFF, s13  }
0x20: {  	s17 =	sxor.u32 @!p1 $0xFFFFFFFF, s13;
	s18 =	sshll.u32 @!p1 s12, $0x10;
	s19 =	sshll.u32 @!p1 s11, $0xA  }
0x21: {  	s20 =	sshll.u32 @!p1 s10, $0x4;
	s17 =	sshll.u32 @!p1 s17, $0xD;
	s18 =	sadd.s32 @!p1 s4, s18  }
0x22: {  	s20 =	sand.u32 @!p1 $0x3F0, s20;
	s17 =	sand.u32 @!p1 $0x2000, s17;
	s18 =	sadd.s32 @!p1 s19, s18  }
0x23: {  	s19 =	simm.s32 @!p1 $0x40;
	s18 =	sadd.s32 @!p1 s20, s18;
	s20 =	simm.s32 @!p1 $0x80000  }
0x24: {  	[tilespmem:s17], [sflag:$0x1] =	stream.strided.gather @!p1 [hbm4b:s18+s19], $0x2000, s20, s19, $0x38;
	[tilespmem:$0x8080] =	vst v63  }
0x25: {  	p1 =	sge.u32 s31, s7  }
.Ltmp2:
0x26: {  	_ = 	snop;
	(pc) =	sbr.rel @p1 .LBB1_5-.Ltmp2, $1  }
0x27: {  	_ =	sdelay $0x3  }
0x28: {  	s17 =	simm.s32 $0x1  }
0x29: {  	_ =	swait.ge [sflag:s6], $0x2000;
	s17 =	simm.s32 @!p0 $0x0  }
0x2a: {  	[sflag:s6] =	ssyncset.done $0x0;
	s18 =	sshll.u32 s17, $0xD  }
0x2b: {  	[sflag:s6] =	ssyncadd.s32 $0xFFFFE000;
	s21 =	sor.u32 $0x20, s18  }
0x2c: {  	s17 =	smul.u32 $0x8100, s17;
	v3 =	vld [tilespmem:s21+$0x10]  }
0x2d: {  	s30 =	sand.u32 $0x1, s13;
	v2 =	vld [tilespmem:s21+$0xFFFFFFF0]  }
0x2e: {  	s18 =	smul.u32 $0x8100, s30;
	s17 =	sshrl.u32 s17, $0x2;
	v0 =	vld [tilespmem:s21+$0x0]  }
0x2f: {  	v1 =	vld [tilespmem:s21+$0xFFFFFFE0];
	s19 =	sor.u32 $0x4000, s17  }
0x30: {  	s31 =	sshrl.u32 s18, $0x2;
	s18 =	sadd.s32 $0x0, s19  }
0x31: {  	s20 =	simm.s32 $0x4;
	s21 =	sadd.s32 $0x40, s21;
	s17 =	sor.u32 $0x4000, s31;
	[tilespmem:s18+$0x1830 ss:$0x81] =	vst.msk $0xffff, v3  }
.LBB1_3:
0x32: {  	v3 =	vld [tilespmem:s21+$0x10];
	p1 =	sne.s32 s20, $0x1FC;
	[tilespmem:s18+$0x810 ss:$0x81] =	vst.msk $0xffff, v2;
	s22 =	smov.u32 s20;
	s20 =	sadd.s32 $0x4, s20  }
.Ltmp3:
0x33: {  	v2 =	vld [tilespmem:s21+$0xFFFFFFF0];
	[tilespmem:s18+$0x1020 ss:$0x81] =	vst.msk $0xffff, v0;
	(pc) =	sbr.rel @p1 .LBB1_3-.Ltmp3, $4  }
0x34: {  	v0 =	vld [tilespmem:s21+$0x0];
	[tilespmem:s18+$0x0 ss:$0x81] =	vst.msk $0xffff, v1  }
0x35: {  	s18 =	sshra.s32 s22, $0x2;
	v1 =	vld [tilespmem:s21+$0xFFFFFFE0]  }
0x36: {  	s18 =	sadd.s32 s18, s19  }
0x37: {  	s21 =	sadd.s32 $0x40, s21;
	[tilespmem:s18+$0x1830 ss:$0x81] =	vst.msk $0xffff, v3  }
.Ltmp4:
0x38: {  	_ = 	snop;
	(pc) =	sbr.rel .LBB1_4-.Ltmp4, $1  }
0x39: {  	_ =	sdelay $0x3  }
.LBB1_6:
0x3a: {  	_ =	sfence.sel $0x180000  }
0x3b: {  	s2 =	simm.s32 $0x1;
	[bflag:$0x0] =	sbarrier.arrive $0xFFFF  }
0x3c: {  	s31 =	simm.s32 $0x2;
	[sflag:s2] =	ssyncpa.u1 $0x1  }
0x3d: {  	[sflag:s31] =	ssyncpa.u1 $0x1  }
0x3e: {  	p0 =	sne.s32 s0, $0x0;
	_ =	strace $0x9000004A  }
0x3f: {  	s0 =	sadd.s32 @!p0 $0x100000, s1;
	[bflag:$0x2] =	sbarrier.arrive $0xFFFF  }
0x40: {  	[sflag:s0] =	ssyncadd.tile.s32 @!p0 $0x1;
	_ =	shalt  }
.Lfunc_end1:
_tile_overlayer_lowered:
.L_overlay_start_2:
0x41: {  	(tag) =	ssettag $0x2  }
0x42: {  	s0 =	rddreg [dreg:$0x0];
	s2 =	stileid.u32  }
0x43: {  	s1 =	rddreg [dreg:$0x1];
	p0 =	sne.s32 s2, $0x0  }
0x44: {  	s3 =	rddreg [dreg:$0x2];
	[bflag:$0x3] =	sbarrier.arrive $0xFFFF;
	s2 =	simm.s32 @!p0 $0x1C01  }
0x45: {  	[timem:s3], [sflag:s2] =	dma.local @!p0 [hbm:s0], s1  }
0x46: {  	s0 =	simm.s32 @!p0 $0x1  }
0x47: {  	_ =	swait.ge @!p0 [sflag:s0], s1  }
0x48: {  	s1 =	ssub.s32 @!p0 $0x0, s1;
	[sflag:s0] =	ssyncset.done @!p0 $0x0  }
0x49: {  	[sflag:s0] =	ssyncadd.s32 @!p0 s1  }
0x4a: {  	[bflag:$0x3] =	sbarrier.arrive $0xFFFF  }
0x4b: {  	_ =	shalt  }

</sc_bundles>
